<compile_context>
chip_gen: v7x
topology: tpu7x:2x2x1
jax: 0.10.2.dev20260603
libtpu: 0.0.44.dev20260713+nightly
codegen_flags: <defaults>
</compile_context>

<pallas_src>
import functools

import jax
import jax.numpy as jnp
from jax import lax
from jax.experimental import pallas as pl
from jax.experimental.pallas import tpu as pltpu
from jax.experimental.pallas import tpu_sc as plsc

_NC, _NS = 2, 16
_NW = _NC * _NS
_CHUNK = 320
_NBUF = 2


@functools.lru_cache(maxsize=None)
def _make_gather(B, D):
    b_per_w = B // _NW
    num_chunks = b_per_w // _CHUNK
    num_groups = num_chunks // _NBUF
    mesh = plsc.VectorSubcoreMesh(core_axis_name="c", subcore_axis_name="s")

    @functools.partial(
        pl.kernel,
        mesh=mesh,
        out_type=jax.ShapeDtypeStruct((B, D), jnp.float32),
        scratch_types=[
            pltpu.VMEM((b_per_w,), jnp.int32),
            *[pltpu.VMEM((_CHUNK, D), jnp.float32) for _ in range(_NBUF)],
            *[pltpu.SemaphoreType.DMA for _ in range(2 * _NBUF)],
        ],
    )
    def gather_kernel(idx_hbm, table_hbm, out_hbm, idx_all, *bufs_and_sems):
        rows = bufs_and_sems[:_NBUF]
        gsem = bufs_and_sems[_NBUF:2 * _NBUF]
        ssem = bufs_and_sems[2 * _NBUF:]
        wid = lax.axis_index("c") * _NS + lax.axis_index("s")
        wbase = wid * b_per_w

        def gather(c, b):
            return pltpu.make_async_copy(
                table_hbm.at[idx_all.at[pl.ds(c * _CHUNK, _CHUNK)]],
                rows[b], gsem[b])

        def scatter(c, b):
            return pltpu.make_async_copy(
                rows[b], out_hbm.at[pl.ds(wbase + c * _CHUNK, _CHUNK)],
                ssem[b])

        def step(c, b, wait_prev_scatter, start_next_gather):
            bn = (b + 1) % _NBUF
            gather(c, b).wait()
            scatter(c, b).start()
            if wait_prev_scatter:
                scatter(c + 1 - _NBUF, bn).wait()
            if start_next_gather:
                gather(c + 1, bn).start()

        pltpu.sync_copy(idx_hbm.at[pl.ds(wbase, b_per_w)], idx_all)
        gather(0, 0).start()

        for b in range(_NBUF):
            step(b, b, wait_prev_scatter=(b + 1 >= _NBUF),
                 start_next_gather=True)

        def body(g, carry):
            c0 = g * _NBUF
            for b in range(_NBUF):
                step(c0 + b, b, True, True)
            return carry

        lax.fori_loop(1, num_groups - 1, body, 0)

        c0 = (num_groups - 1) * _NBUF
        for b in range(_NBUF):
            step(c0 + b, b, wait_prev_scatter=(b + 1 < _NBUF),
                 start_next_gather=(b + 1 < _NBUF))
        for b in range(_NBUF):
            scatter(c0 + b, b).wait()

    return gather_kernel


def kernel(x, table):
    B, L = x.shape
    _, D = table.shape
    idx = x.reshape(-1).astype(jnp.int32)
    out = _make_gather(B * L, D)(idx, table)
    return out.reshape(B, L, D)

# --- scband reference (transcript-rebuilt; emitter-appended) ---
"""Pipeline reference for scband-word-embedding-17978733101830 (READ-ONLY COPY).

The authoritative reference and input builder live on the scoring server;
editing this copy changes nothing except your own understanding.
"""

import jax, jax.numpy as jnp
import numpy as np

VOCAB = 100000
EMBED_DIM = 128

def setup_inputs(seed: int = 0) -> dict:
    key = jax.random.key(seed)
    k1, k2 = jax.random.split(key)
    x = jax.random.randint(k1, (4096, 200), 0, VOCAB, dtype=jnp.int64 if jax.config.jax_enable_x64 else jnp.int32)
    table = jax.random.normal(k2, (VOCAB, EMBED_DIM), dtype=jnp.float32)
    return {"x": x, "table": table}

def reference(x, table):
    # WordEmbedding.forward: embedding lookup followed by dropout.
    # Dropout is identity at inference (eval mode), so we apply the lookup only.
    embedded = jnp.take(table, x, axis=0)  # [B, L, D]
    return embedded

if __name__ == "__main__":
    import jax
    _d = setup_inputs()
    print(jax.jit(kernel)(*tuple(_d.values())))

</pallas_src>

<mosaic_0001>
#map = affine_map<(d0, d1) -> (0)>
#map1 = affine_map<(d0, d1) -> (0, 0)>
module attributes {stable_mosaic.version = 14 : i64} {
  func.func @gather_kernel(%arg0: i32, %arg1: i32, %arg2: memref<819200xi32, #tpu.memory_space<hbm>>, %arg3: memref<100000x128xf32, #tpu.memory_space<hbm>>, %arg4: memref<819200x128xf32, #tpu.memory_space<hbm>>, %arg5: memref<25600xi32, #tpu.memory_space<vmem>>, %arg6: memref<320x128xf32, #tpu.memory_space<vmem>>, %arg7: memref<320x128xf32, #tpu.memory_space<vmem>>, %arg8: memref<!tpu.dma_semaphore, #tpu.memory_space<semaphore_mem>>, %arg9: memref<!tpu.dma_semaphore, #tpu.memory_space<semaphore_mem>>, %arg10: memref<!tpu.dma_semaphore, #tpu.memory_space<semaphore_mem>>, %arg11: memref<!tpu.dma_semaphore, #tpu.memory_space<semaphore_mem>>) attributes {dimension_semantics = [#tpu.dimension_semantics<core_parallel>, #tpu.dimension_semantics<subcore_parallel>], iteration_bounds = array<i64: 2, 16>, scalar_prefetch = 0 : i64, scratch_operands = 7 : i64, tpu.core_type = #tpu.core_type<sc_vector_subcore>, window_params = [{transform_indices = #map}, {transform_indices = #map1}, {transform_indices = #map1}]} {
    %mul3A = arith.constant 16 : i32
    %mul3A_0 = arith.muli %arg0, %mul3A : i32
    %add3A = arith.addi %mul3A_0, %arg1 : i32
    %mul3A_1 = arith.constant 25600 : i32
    %mul3A_2 = arith.muli %add3A, %mul3A_1 : i32
    "tpu.region"() ({
      %run_scoped3A = tpu.sem_alloc : memref<!tpu.dma_semaphore, #tpu.memory_space<semaphore_mem>>
      %dma_start3A_94 = tpu.memref_slice %arg2[%mul3A_2] : memref<819200xi32, #tpu.memory_space<hbm>> -> memref<25600xi32, #tpu.memory_space<hbm>>
      %dma_start3A_95 = tpu.memref_slice %arg2[%mul3A_2] : memref<819200xi32, #tpu.memory_space<hbm>> -> memref<25600xi32, #tpu.memory_space<hbm>>
      tpu.enqueue_dma source(%dma_start3A_95 : memref<25600xi32, #tpu.memory_space<hbm>>) target(%arg5 : memref<25600xi32, #tpu.memory_space<vmem>>) target_semaphore(%run_scoped3A : memref<!tpu.dma_semaphore, #tpu.memory_space<semaphore_mem>>)
      %dma_wait3A_96 = tpu.memref_slice %arg2[%mul3A_2] : memref<819200xi32, #tpu.memory_space<hbm>> -> memref<25600xi32, #tpu.memory_space<hbm>>
      %dma_wait3A_97 = tpu.memref_slice %arg2[%mul3A_2] : memref<819200xi32, #tpu.memory_space<hbm>> -> memref<25600xi32, #tpu.memory_space<hbm>>
      tpu.wait_dma2 semaphore(%run_scoped3A : memref<!tpu.dma_semaphore, #tpu.memory_space<semaphore_mem>>) src(%dma_wait3A_97 : memref<25600xi32, #tpu.memory_space<hbm>>) dst(%arg5 : memref<25600xi32, #tpu.memory_space<vmem>>)
      tpu.yield
    }) : () -> ()
    %dma_start3A = arith.constant 0 : i32
    %dma_start3A_3 = tpu.memref_slice %arg5[%dma_start3A] : memref<25600xi32, #tpu.memory_space<vmem>> -> memref<320xi32, #tpu.memory_space<vmem>>
    %dma_start3A_4 = arith.constant 0 : i32
    %dma_start3A_5 = arith.constant 0 : i32
    %dma_start3A_6 = tpu.memref_slice %arg3[%dma_start3A_4, %dma_start3A_5] : memref<100000x128xf32, #tpu.memory_space<hbm>> -> memref<100000x128xf32, #tpu.memory_space<hbm>>
    tpu.enqueue_indirect_dma source(%dma_start3A_6 : memref<100000x128xf32, #tpu.memory_space<hbm>>) target(%arg6 : memref<320x128xf32, #tpu.memory_space<vmem>>) offsets(%dma_start3A_3 : memref<320xi32, #tpu.memory_space<vmem>>) semaphore(%arg8 : memref<!tpu.dma_semaphore, #tpu.memory_space<semaphore_mem>>)
    %dma_wait3A = arith.constant 0 : i32
    %dma_wait3A_7 = tpu.memref_slice %arg5[%dma_wait3A] : memref<25600xi32, #tpu.memory_space<vmem>> -> memref<320xi32, #tpu.memory_space<vmem>>
    %dma_wait3A_8 = arith.constant 0 : i32
    %dma_wait3A_9 = arith.constant 0 : i32
    %dma_wait3A_10 = tpu.memref_slice %arg3[%dma_wait3A_8, %dma_wait3A_9] : memref<100000x128xf32, #tpu.memory_space<hbm>> -> memref<100000x128xf32, #tpu.memory_space<hbm>>
    tpu.wait_indirect_dma semaphore(%arg8 : memref<!tpu.dma_semaphore, #tpu.memory_space<semaphore_mem>>) src(%dma_wait3A_10 : memref<100000x128xf32, #tpu.memory_space<hbm>>) dst(%arg6 : memref<320x128xf32, #tpu.memory_space<vmem>>)
    %add3A_11 = arith.constant 0 : i32
    %add3A_12 = arith.addi %mul3A_2, %add3A_11 : i32
    %dma_start3A_13 = arith.constant 0 : i32
    %dma_start3A_14 = tpu.memref_slice %arg4[%add3A_12, %dma_start3A_13] : memref<819200x128xf32, #tpu.memory_space<hbm>> -> memref<320x128xf32, #tpu.memory_space<hbm>>
    %dma_start3A_15 = arith.constant 0 : i32
    %dma_start3A_16 = tpu.memref_slice %arg4[%add3A_12, %dma_start3A_15] : memref<819200x128xf32, #tpu.memory_space<hbm>> -> memref<320x128xf32, #tpu.memory_space<hbm>>
    tpu.enqueue_dma source(%arg6 : memref<320x128xf32, #tpu.memory_space<vmem>>) target(%dma_start3A_16 : memref<320x128xf32, #tpu.memory_space<hbm>>) target_semaphore(%arg10 : memref<!tpu.dma_semaphore, #tpu.memory_space<semaphore_mem>>)
    %dma_start3A_17 = arith.constant 320 : i32
    %dma_start3A_18 = tpu.memref_slice %arg5[%dma_start3A_17] : memref<25600xi32, #tpu.memory_space<vmem>> -> memref<320xi32, #tpu.memory_space<vmem>>
    %dma_start3A_19 = arith.constant 0 : i32
    %dma_start3A_20 = arith.constant 0 : i32
    %dma_start3A_21 = tpu.memref_slice %arg3[%dma_start3A_19, %dma_start3A_20] : memref<100000x128xf32, #tpu.memory_space<hbm>> -> memref<100000x128xf32, #tpu.memory_space<hbm>>
    tpu.enqueue_indirect_dma source(%dma_start3A_21 : memref<100000x128xf32, #tpu.memory_space<hbm>>) target(%arg7 : memref<320x128xf32, #tpu.memory_space<vmem>>) offsets(%dma_start3A_18 : memref<320xi32, #tpu.memory_space<vmem>>) semaphore(%arg9 : memref<!tpu.dma_semaphore, #tpu.memory_space<semaphore_mem>>)
    %dma_wait3A_22 = arith.constant 320 : i32
    %dma_wait3A_23 = tpu.memref_slice %arg5[%dma_wait3A_22] : memref<25600xi32, #tpu.memory_space<vmem>> -> memref<320xi32, #tpu.memory_space<vmem>>
    %dma_wait3A_24 = arith.constant 0 : i32
    %dma_wait3A_25 = arith.constant 0 : i32
    %dma_wait3A_26 = tpu.memref_slice %arg3[%dma_wait3A_24, %dma_wait3A_25] : memref<100000x128xf32, #tpu.memory_space<hbm>> -> memref<100000x128xf32, #tpu.memory_space<hbm>>
    tpu.wait_indirect_dma semaphore(%arg9 : memref<!tpu.dma_semaphore, #tpu.memory_space<semaphore_mem>>) src(%dma_wait3A_26 : memref<100000x128xf32, #tpu.memory_space<hbm>>) dst(%arg7 : memref<320x128xf32, #tpu.memory_space<vmem>>)
    %add3A_27 = arith.constant 320 : i32
    %add3A_28 = arith.addi %mul3A_2, %add3A_27 : i32
    %dma_start3A_29 = arith.constant 0 : i32
    %dma_start3A_30 = tpu.memref_slice %arg4[%add3A_28, %dma_start3A_29] : memref<819200x128xf32, #tpu.memory_space<hbm>> -> memref<320x128xf32, #tpu.memory_space<hbm>>
    %dma_start3A_31 = arith.constant 0 : i32
    %dma_start3A_32 = tpu.memref_slice %arg4[%add3A_28, %dma_start3A_31] : memref<819200x128xf32, #tpu.memory_space<hbm>> -> memref<320x128xf32, #tpu.memory_space<hbm>>
    tpu.enqueue_dma source(%arg7 : memref<320x128xf32, #tpu.memory_space<vmem>>) target(%dma_start3A_32 : memref<320x128xf32, #tpu.memory_space<hbm>>) target_semaphore(%arg11 : memref<!tpu.dma_semaphore, #tpu.memory_space<semaphore_mem>>)
    %add3A_33 = arith.constant 0 : i32
    %add3A_34 = arith.addi %mul3A_2, %add3A_33 : i32
    %dma_wait3A_35 = arith.constant 0 : i32
    %dma_wait3A_36 = tpu.memref_slice %arg4[%add3A_34, %dma_wait3A_35] : memref<819200x128xf32, #tpu.memory_space<hbm>> -> memref<320x128xf32, #tpu.memory_space<hbm>>
    %dma_wait3A_37 = arith.constant 0 : i32
    %dma_wait3A_38 = tpu.memref_slice %arg4[%add3A_34, %dma_wait3A_37] : memref<819200x128xf32, #tpu.memory_space<hbm>> -> memref<320x128xf32, #tpu.memory_space<hbm>>
    tpu.wait_dma2 semaphore(%arg10 : memref<!tpu.dma_semaphore, #tpu.memory_space<semaphore_mem>>) src(%arg6 : memref<320x128xf32, #tpu.memory_space<vmem>>) dst(%dma_wait3A_38 : memref<320x128xf32, #tpu.memory_space<hbm>>)
    %dma_start3A_39 = arith.constant 640 : i32
    %dma_start3A_40 = tpu.memref_slice %arg5[%dma_start3A_39] : memref<25600xi32, #tpu.memory_space<vmem>> -> memref<320xi32, #tpu.memory_space<vmem>>
    %dma_start3A_41 = arith.constant 0 : i32
    %dma_start3A_42 = arith.constant 0 : i32
    %dma_start3A_43 = tpu.memref_slice %arg3[%dma_start3A_41, %dma_start3A_42] : memref<100000x128xf32, #tpu.memory_space<hbm>> -> memref<100000x128xf32, #tpu.memory_space<hbm>>
    tpu.enqueue_indirect_dma source(%dma_start3A_43 : memref<100000x128xf32, #tpu.memory_space<hbm>>) target(%arg6 : memref<320x128xf32, #tpu.memory_space<vmem>>) offsets(%dma_start3A_40 : memref<320xi32, #tpu.memory_space<vmem>>) semaphore(%arg8 : memref<!tpu.dma_semaphore, #tpu.memory_space<semaphore_mem>>)
    %scan3A = arith.constant 0 : i32
    %scan3A_44 = arith.constant 1 : i32
    %scan3A_45 = arith.constant 38 : i32
    %scan3A_46 = arith.addi %scan3A_44, %scan3A_45 : i32
    %scan3A_47 = arith.constant 1 : i32
    scf.for %scan3A_94 = %scan3A_44 to %scan3A_46 step %scan3A_47  : i32 {
      %mul3A_95 = arith.constant 2 : i32
      %mul3A_96 = arith.muli %scan3A_94, %mul3A_95 : i32
      %add3A_97 = arith.constant 0 : i32
      %add3A_98 = arith.addi %mul3A_96, %add3A_97 : i32
      %mul3A_99 = arith.constant 320 : i32
      %mul3A_100 = arith.muli %add3A_98, %mul3A_99 : i32
      %dma_wait3A_101 = tpu.memref_slice %arg5[%mul3A_100] : memref<25600xi32, #tpu.memory_space<vmem>> -> memref<320xi32, #tpu.memory_space<vmem>>
      %dma_wait3A_102 = arith.constant 0 : i32
      %dma_wait3A_103 = arith.constant 0 : i32
      %dma_wait3A_104 = tpu.memref_slice %arg3[%dma_wait3A_102, %dma_wait3A_103] : memref<100000x128xf32, #tpu.memory_space<hbm>> -> memref<100000x128xf32, #tpu.memory_space<hbm>>
      tpu.wait_indirect_dma semaphore(%arg8 : memref<!tpu.dma_semaphore, #tpu.memory_space<semaphore_mem>>) src(%dma_wait3A_104 : memref<100000x128xf32, #tpu.memory_space<hbm>>) dst(%arg6 : memref<320x128xf32, #tpu.memory_space<vmem>>)
      %mul3A_105 = arith.constant 320 : i32
      %mul3A_106 = arith.muli %add3A_98, %mul3A_105 : i32
      %add3A_107 = arith.addi %mul3A_2, %mul3A_106 : i32
      %dma_start3A_108 = arith.constant 0 : i32
      %dma_start3A_109 = tpu.memref_slice %arg4[%add3A_107, %dma_start3A_108] : memref<819200x128xf32, #tpu.memory_space<hbm>> -> memref<320x128xf32, #tpu.memory_space<hbm>>
      %dma_start3A_110 = arith.constant 0 : i32
      %dma_start3A_111 = tpu.memref_slice %arg4[%add3A_107, %dma_start3A_110] : memref<819200x128xf32, #tpu.memory_space<hbm>> -> memref<320x128xf32, #tpu.memory_space<hbm>>
      tpu.enqueue_dma source(%arg6 : memref<320x128xf32, #tpu.memory_space<vmem>>) target(%dma_start3A_111 : memref<320x128xf32, #tpu.memory_space<hbm>>) target_semaphore(%arg10 : memref<!tpu.dma_semaphore, #tpu.memory_space<semaphore_mem>>)
      %add3A_112 = arith.constant 1 : i32
      %add3A_113 = arith.addi %add3A_98, %add3A_112 : i32
      %sub3A = arith.constant 2 : i32
      %sub3A_114 = arith.subi %add3A_113, %sub3A : i32
      %mul3A_115 = arith.constant 320 : i32
      %mul3A_116 = arith.muli %sub3A_114, %mul3A_115 : i32
      %add3A_117 = arith.addi %mul3A_2, %mul3A_116 : i32
      %dma_wait3A_118 = arith.constant 0 : i32
      %dma_wait3A_119 = tpu.memref_slice %arg4[%add3A_117, %dma_wait3A_118] : memref<819200x128xf32, #tpu.memory_space<hbm>> -> memref<320x128xf32, #tpu.memory_space<hbm>>
      %dma_wait3A_120 = arith.constant 0 : i32
      %dma_wait3A_121 = tpu.memref_slice %arg4[%add3A_117, %dma_wait3A_120] : memref<819200x128xf32, #tpu.memory_space<hbm>> -> memref<320x128xf32, #tpu.memory_space<hbm>>
      tpu.wait_dma2 semaphore(%arg11 : memref<!tpu.dma_semaphore, #tpu.memory_space<semaphore_mem>>) src(%arg7 : memref<320x128xf32, #tpu.memory_space<vmem>>) dst(%dma_wait3A_121 : memref<320x128xf32, #tpu.memory_space<hbm>>)
      %add3A_122 = arith.constant 1 : i32
      %add3A_123 = arith.addi %add3A_98, %add3A_122 : i32
      %mul3A_124 = arith.constant 320 : i32
      %mul3A_125 = arith.muli %add3A_123, %mul3A_124 : i32
      %dma_start3A_126 = tpu.memref_slice %arg5[%mul3A_125] : memref<25600xi32, #tpu.memory_space<vmem>> -> memref<320xi32, #tpu.memory_space<vmem>>
      %dma_start3A_127 = arith.constant 0 : i32
      %dma_start3A_128 = arith.constant 0 : i32
      %dma_start3A_129 = tpu.memref_slice %arg3[%dma_start3A_127, %dma_start3A_128] : memref<100000x128xf32, #tpu.memory_space<hbm>> -> memref<100000x128xf32, #tpu.memory_space<hbm>>
      tpu.enqueue_indirect_dma source(%dma_start3A_129 : memref<100000x128xf32, #tpu.memory_space<hbm>>) target(%arg7 : memref<320x128xf32, #tpu.memory_space<vmem>>) offsets(%dma_start3A_126 : memref<320xi32, #tpu.memory_space<vmem>>) semaphore(%arg9 : memref<!tpu.dma_semaphore, #tpu.memory_space<semaphore_mem>>)
      %add3A_130 = arith.constant 1 : i32
      %add3A_131 = arith.addi %mul3A_96, %add3A_130 : i32
      %mul3A_132 = arith.constant 320 : i32
      %mul3A_133 = arith.muli %add3A_131, %mul3A_132 : i32
      %dma_wait3A_134 = tpu.memref_slice %arg5[%mul3A_133] : memref<25600xi32, #tpu.memory_space<vmem>> -> memref<320xi32, #tpu.memory_space<vmem>>
      %dma_wait3A_135 = arith.constant 0 : i32
      %dma_wait3A_136 = arith.constant 0 : i32
      %dma_wait3A_137 = tpu.memref_slice %arg3[%dma_wait3A_135, %dma_wait3A_136] : memref<100000x128xf32, #tpu.memory_space<hbm>> -> memref<100000x128xf32, #tpu.memory_space<hbm>>
      tpu.wait_indirect_dma semaphore(%arg9 : memref<!tpu.dma_semaphore, #tpu.memory_space<semaphore_mem>>) src(%dma_wait3A_137 : memref<100000x128xf32, #tpu.memory_space<hbm>>) dst(%arg7 : memref<320x128xf32, #tpu.memory_space<vmem>>)
      %mul3A_138 = arith.constant 320 : i32
      %mul3A_139 = arith.muli %add3A_131, %mul3A_138 : i32
      %add3A_140 = arith.addi %mul3A_2, %mul3A_139 : i32
      %dma_start3A_141 = arith.constant 0 : i32
      %dma_start3A_142 = tpu.memref_slice %arg4[%add3A_140, %dma_start3A_141] : memref<819200x128xf32, #tpu.memory_space<hbm>> -> memref<320x128xf32, #tpu.memory_space<hbm>>
      %dma_start3A_143 = arith.constant 0 : i32
      %dma_start3A_144 = tpu.memref_slice %arg4[%add3A_140, %dma_start3A_143] : memref<819200x128xf32, #tpu.memory_space<hbm>> -> memref<320x128xf32, #tpu.memory_space<hbm>>
      tpu.enqueue_dma source(%arg7 : memref<320x128xf32, #tpu.memory_space<vmem>>) target(%dma_start3A_144 : memref<320x128xf32, #tpu.memory_space<hbm>>) target_semaphore(%arg11 : memref<!tpu.dma_semaphore, #tpu.memory_space<semaphore_mem>>)
      %add3A_145 = arith.constant 1 : i32
      %add3A_146 = arith.addi %add3A_131, %add3A_145 : i32
      %sub3A_147 = arith.constant 2 : i32
      %sub3A_148 = arith.subi %add3A_146, %sub3A_147 : i32
      %mul3A_149 = arith.constant 320 : i32
      %mul3A_150 = arith.muli %sub3A_148, %mul3A_149 : i32
      %add3A_151 = arith.addi %mul3A_2, %mul3A_150 : i32
      %dma_wait3A_152 = arith.constant 0 : i32
      %dma_wait3A_153 = tpu.memref_slice %arg4[%add3A_151, %dma_wait3A_152] : memref<819200x128xf32, #tpu.memory_space<hbm>> -> memref<320x128xf32, #tpu.memory_space<hbm>>
      %dma_wait3A_154 = arith.constant 0 : i32
      %dma_wait3A_155 = tpu.memref_slice %arg4[%add3A_151, %dma_wait3A_154] : memref<819200x128xf32, #tpu.memory_space<hbm>> -> memref<320x128xf32, #tpu.memory_space<hbm>>
      tpu.wait_dma2 semaphore(%arg10 : memref<!tpu.dma_semaphore, #tpu.memory_space<semaphore_mem>>) src(%arg6 : memref<320x128xf32, #tpu.memory_space<vmem>>) dst(%dma_wait3A_155 : memref<320x128xf32, #tpu.memory_space<hbm>>)
      %add3A_156 = arith.constant 1 : i32
      %add3A_157 = arith.addi %add3A_131, %add3A_156 : i32
      %mul3A_158 = arith.constant 320 : i32
      %mul3A_159 = arith.muli %add3A_157, %mul3A_158 : i32
      %dma_start3A_160 = tpu.memref_slice %arg5[%mul3A_159] : memref<25600xi32, #tpu.memory_space<vmem>> -> memref<320xi32, #tpu.memory_space<vmem>>
      %dma_start3A_161 = arith.constant 0 : i32
      %dma_start3A_162 = arith.constant 0 : i32
      %dma_start3A_163 = tpu.memref_slice %arg3[%dma_start3A_161, %dma_start3A_162] : memref<100000x128xf32, #tpu.memory_space<hbm>> -> memref<100000x128xf32, #tpu.memory_space<hbm>>
      tpu.enqueue_indirect_dma source(%dma_start3A_163 : memref<100000x128xf32, #tpu.memory_space<hbm>>) target(%arg6 : memref<320x128xf32, #tpu.memory_space<vmem>>) offsets(%dma_start3A_160 : memref<320xi32, #tpu.memory_space<vmem>>) semaphore(%arg8 : memref<!tpu.dma_semaphore, #tpu.memory_space<semaphore_mem>>)
    }
    %scan3A_48 = arith.constant 38 : i32
    %dma_wait3A_49 = arith.constant 24960 : i32
    %dma_wait3A_50 = tpu.memref_slice %arg5[%dma_wait3A_49] : memref<25600xi32, #tpu.memory_space<vmem>> -> memref<320xi32, #tpu.memory_space<vmem>>
    %dma_wait3A_51 = arith.constant 0 : i32
    %dma_wait3A_52 = arith.constant 0 : i32
    %dma_wait3A_53 = tpu.memref_slice %arg3[%dma_wait3A_51, %dma_wait3A_52] : memref<100000x128xf32, #tpu.memory_space<hbm>> -> memref<100000x128xf32, #tpu.memory_space<hbm>>
    tpu.wait_indirect_dma semaphore(%arg8 : memref<!tpu.dma_semaphore, #tpu.memory_space<semaphore_mem>>) src(%dma_wait3A_53 : memref<100000x128xf32, #tpu.memory_space<hbm>>) dst(%arg6 : memref<320x128xf32, #tpu.memory_space<vmem>>)
    %add3A_54 = arith.constant 24960 : i32
    %add3A_55 = arith.addi %mul3A_2, %add3A_54 : i32
    %dma_start3A_56 = arith.constant 0 : i32
    %dma_start3A_57 = tpu.memref_slice %arg4[%add3A_55, %dma_start3A_56] : memref<819200x128xf32, #tpu.memory_space<hbm>> -> memref<320x128xf32, #tpu.memory_space<hbm>>
    %dma_start3A_58 = arith.constant 0 : i32
    %dma_start3A_59 = tpu.memref_slice %arg4[%add3A_55, %dma_start3A_58] : memref<819200x128xf32, #tpu.memory_space<hbm>> -> memref<320x128xf32, #tpu.memory_space<hbm>>
    tpu.enqueue_dma source(%arg6 : memref<320x128xf32, #tpu.memory_space<vmem>>) target(%dma_start3A_59 : memref<320x128xf32, #tpu.memory_space<hbm>>) target_semaphore(%arg10 : memref<!tpu.dma_semaphore, #tpu.memory_space<semaphore_mem>>)
    %add3A_60 = arith.constant 24640 : i32
    %add3A_61 = arith.addi %mul3A_2, %add3A_60 : i32
    %dma_wait3A_62 = arith.constant 0 : i32
    %dma_wait3A_63 = tpu.memref_slice %arg4[%add3A_61, %dma_wait3A_62] : memref<819200x128xf32, #tpu.memory_space<hbm>> -> memref<320x128xf32, #tpu.memory_space<hbm>>
    %dma_wait3A_64 = arith.constant 0 : i32
    %dma_wait3A_65 = tpu.memref_slice %arg4[%add3A_61, %dma_wait3A_64] : memref<819200x128xf32, #tpu.memory_space<hbm>> -> memref<320x128xf32, #tpu.memory_space<hbm>>
    tpu.wait_dma2 semaphore(%arg11 : memref<!tpu.dma_semaphore, #tpu.memory_space<semaphore_mem>>) src(%arg7 : memref<320x128xf32, #tpu.memory_space<vmem>>) dst(%dma_wait3A_65 : memref<320x128xf32, #tpu.memory_space<hbm>>)
    %dma_start3A_66 = arith.constant 25280 : i32
    %dma_start3A_67 = tpu.memref_slice %arg5[%dma_start3A_66] : memref<25600xi32, #tpu.memory_space<vmem>> -> memref<320xi32, #tpu.memory_space<vmem>>
    %dma_start3A_68 = arith.constant 0 : i32
    %dma_start3A_69 = arith.constant 0 : i32
    %dma_start3A_70 = tpu.memref_slice %arg3[%dma_start3A_68, %dma_start3A_69] : memref<100000x128xf32, #tpu.memory_space<hbm>> -> memref<100000x128xf32, #tpu.memory_space<hbm>>
    tpu.enqueue_indirect_dma source(%dma_start3A_70 : memref<100000x128xf32, #tpu.memory_space<hbm>>) target(%arg7 : memref<320x128xf32, #tpu.memory_space<vmem>>) offsets(%dma_start3A_67 : memref<320xi32, #tpu.memory_space<vmem>>) semaphore(%arg9 : memref<!tpu.dma_semaphore, #tpu.memory_space<semaphore_mem>>)
    %dma_wait3A_71 = arith.constant 25280 : i32
    %dma_wait3A_72 = tpu.memref_slice %arg5[%dma_wait3A_71] : memref<25600xi32, #tpu.memory_space<vmem>> -> memref<320xi32, #tpu.memory_space<vmem>>
    %dma_wait3A_73 = arith.constant 0 : i32
    %dma_wait3A_74 = arith.constant 0 : i32
    %dma_wait3A_75 = tpu.memref_slice %arg3[%dma_wait3A_73, %dma_wait3A_74] : memref<100000x128xf32, #tpu.memory_space<hbm>> -> memref<100000x128xf32, #tpu.memory_space<hbm>>
    tpu.wait_indirect_dma semaphore(%arg9 : memref<!tpu.dma_semaphore, #tpu.memory_space<semaphore_mem>>) src(%dma_wait3A_75 : memref<100000x128xf32, #tpu.memory_space<hbm>>) dst(%arg7 : memref<320x128xf32, #tpu.memory_space<vmem>>)
    %add3A_76 = arith.constant 25280 : i32
    %add3A_77 = arith.addi %mul3A_2, %add3A_76 : i32
    %dma_start3A_78 = arith.constant 0 : i32
    %dma_start3A_79 = tpu.memref_slice %arg4[%add3A_77, %dma_start3A_78] : memref<819200x128xf32, #tpu.memory_space<hbm>> -> memref<320x128xf32, #tpu.memory_space<hbm>>
    %dma_start3A_80 = arith.constant 0 : i32
    %dma_start3A_81 = tpu.memref_slice %arg4[%add3A_77, %dma_start3A_80] : memref<819200x128xf32, #tpu.memory_space<hbm>> -> memref<320x128xf32, #tpu.memory_space<hbm>>
    tpu.enqueue_dma source(%arg7 : memref<320x128xf32, #tpu.memory_space<vmem>>) target(%dma_start3A_81 : memref<320x128xf32, #tpu.memory_space<hbm>>) target_semaphore(%arg11 : memref<!tpu.dma_semaphore, #tpu.memory_space<semaphore_mem>>)
    %add3A_82 = arith.constant 24960 : i32
    %add3A_83 = arith.addi %mul3A_2, %add3A_82 : i32
    %dma_wait3A_84 = arith.constant 0 : i32
    %dma_wait3A_85 = tpu.memref_slice %arg4[%add3A_83, %dma_wait3A_84] : memref<819200x128xf32, #tpu.memory_space<hbm>> -> memref<320x128xf32, #tpu.memory_space<hbm>>
    %dma_wait3A_86 = arith.constant 0 : i32
    %dma_wait3A_87 = tpu.memref_slice %arg4[%add3A_83, %dma_wait3A_86] : memref<819200x128xf32, #tpu.memory_space<hbm>> -> memref<320x128xf32, #tpu.memory_space<hbm>>
    tpu.wait_dma2 semaphore(%arg10 : memref<!tpu.dma_semaphore, #tpu.memory_space<semaphore_mem>>) src(%arg6 : memref<320x128xf32, #tpu.memory_space<vmem>>) dst(%dma_wait3A_87 : memref<320x128xf32, #tpu.memory_space<hbm>>)
    %add3A_88 = arith.constant 25280 : i32
    %add3A_89 = arith.addi %mul3A_2, %add3A_88 : i32
    %dma_wait3A_90 = arith.constant 0 : i32
    %dma_wait3A_91 = tpu.memref_slice %arg4[%add3A_89, %dma_wait3A_90] : memref<819200x128xf32, #tpu.memory_space<hbm>> -> memref<320x128xf32, #tpu.memory_space<hbm>>
    %dma_wait3A_92 = arith.constant 0 : i32
    %dma_wait3A_93 = tpu.memref_slice %arg4[%add3A_89, %dma_wait3A_92] : memref<819200x128xf32, #tpu.memory_space<hbm>> -> memref<320x128xf32, #tpu.memory_space<hbm>>
    tpu.wait_dma2 semaphore(%arg11 : memref<!tpu.dma_semaphore, #tpu.memory_space<semaphore_mem>>) src(%arg7 : memref<320x128xf32, #tpu.memory_space<vmem>>) dst(%dma_wait3A_93 : memref<320x128xf32, #tpu.memory_space<hbm>>)
    return
  }
}

</mosaic_0001>

<sc_bundles>
// kernel: kernel.3.cloned.1.call-start
scs
__scs_entry_jumppad:
0x0: {  	(pc) =	sbr.rel $0x88, $3  }
0x1: {  	(tag) =	ssettag $0x0;
	lr =	simm.s32 $0x1  }
0x2: {  	[smem:$0x3F9F] =	sst lr;
	_ =	strace $0xD0000000  }
0x3: {  	_ = 	snop  }
0x4: {  	_ = 	snop  }
0x5: {  	_ = 	snop  }
0x6: {  	_ = 	snop  }
0x7: {  	_ = 	snop  }
__scs_overlays_trampoline_lowered:
0x8: {  	[smem:$0x3FAE] =	sst s0  }
0x9: {  	[smem:$0x3FAF] =	sst s1  }
0xa: {  	[smem:$0x3FB0] =	sst s2  }
0xb: {  	[smem:$0x3FB1] =	sst s3  }
0xc: {  	[smem:$0x3FB2] =	sst s4  }
0xd: {  	[smem:$0x3FB3] =	sst s5  }
0xe: {  	[smem:$0x3FB4] =	sst s6  }
0xf: {  	[smem:$0x3FB5] =	sst s7  }
0x10: {  	[smem:$0x3FB6] =	sst s8  }
0x11: {  	[smem:$0x3FB7] =	sst s9;
	s0 =	simm.s32 @!p0 $0x0  }
0x12: {  	s1 =	sld [smem:$0x3F9D];
	s0 =	simm.s32 @p0 $0x1  }
0x13: {  	[smem:$0x3FB8] =	sst s0;
	s0 =	simm.s32 @!p1 $0x0  }
0x14: {  	s2 =	sld [smem:$0x3F9C];
	s0 =	simm.s32 @p1 $0x1  }
0x15: {  	[smem:$0x3FB9] =	sst s0;
	s0 =	simm.s32 @!p2 $0x0  }
0x16: {  	s3 =	sld [smem:$0x3FDB];
	s0 =	simm.s32 @p2 $0x1  }
0x17: {  	s4 =	simm.s32 $0x1BF5;
	[smem:$0x3FBB] =	sst s0  }
0x18: {  	s0 =	sld [smem:$0x3F9E];
	_ =	swait.ge [sflag:s4], $0x0  }
0x19: {  	s7 =	sld [smem:$0x3F9F]  }
0x1a: {  	s8 =	sadd.s32 $0xFFFFE003, lr  }
0x1b: {  	s9 =	sadd.s32 $0xFFFFFEF7, lr;
	s5 =	simm.s32 $0xFFFFFFFF;
	p2 =	slt.u32 s8, $0xFFFFF086  }
0x1c: {  	p1 =	slt.u32 s9, $0xF7A;
	s5 =	simm.s32 @!p2 $0x0  }
0x1d: {  	s5 =	simm.s32 @p1 $0x1;
	p0 =	seq.s32 s7, s2  }
0x1e: {  	s7 =	smul.u32 @!p0 $0xF7A, s2;
	p2 =	seq.s32 @!p0 s5, $0x0  }
0x1f: {  	s9 =	smul.u32 $0xF7A, s1;
	s8 =	simm.s32 @!p0 $0x1BF5;
	p2 =	por !p2, p0  }
0x20: {  	[sflag:s8] =	ssyncset.s32 @!p0 $0xFFFFF086;
	s6 =	sadd.s32 @!p0 s3, s7;
	s7 =	simm.s32 @!p0 $0x108  }
0x21: {  	s3 =	sadd.s32 s3, s9;
	s6 =	sadd.s32 @!p0 $0x88, s6;
	s7 =	simm.s32 @p2 $0x1082  }
0x22: {  	[simem:s7], [sflag:s8] =	dma.local @!p0 [hbm:s6], $0xF7A  }
0x23: {  	s9 =	sor.u32 $0xD0000000, s2;
	s6 =	simm.s32 $0x108;
	_ =	swait.ge @!p0 [sflag:s8], $0x0  }
0x24: {  	s3 =	sadd.s32 $0x88, s3;
	s6 =	simm.s32 @!p1 $0x1082;
	[sflag:s4] =	ssyncset.s32 $0xFFFFF086  }
0x25: {  	[simem:s6], [sflag:s4] =	dma.local [hbm:s3], $0xF7A  }
0x26: {  	[smem:$0x3F9F] =	sst s1;
	(tag) =	ssettag s2;
	_ =	strace s9  }
0x27: {  	s1 =	sld [smem:$0x3FAF]  }
0x28: {  	s2 =	sld [smem:$0x3FB0]  }
0x29: {  	s4 =	sld [smem:$0x3FB2]  }
0x2a: {  	p0 =	seq.s32 s5, $0x0;
	s5 =	sld [smem:$0x3FB3]  }
0x2b: {  	s6 =	sld [smem:$0x3FB4]  }
0x2c: {  	s7 =	sld [smem:$0x3FB5]  }
0x2d: {  	s3 =	simm.s32 $0x108;
	s8 =	sld [smem:$0x3FB6]  }
0x2e: {  	s3 =	simm.s32 @!p0 $0x1082;
	s9 =	sld [smem:$0x3FB7]  }
0x2f: {  	lr =	sadd.s32 s0, s3;
	s0 =	sld [smem:$0x3FAE]  }
0x30: {  	s3 =	sld [smem:$0x3FB1]  }
0x31: {  	[smem:$0x3FBA] =	sst s10  }
0x32: {  	s10 =	sld [smem:$0x3FB8];
	_ =	sdelay $0x3  }
0x33: {  	p0 =	seq.s32 s10, $0x1;
	s10 =	sld [smem:$0x3FBA];
	_ =	sdelay $0x3  }
0x34: {  	[smem:$0x3FBA] =	sst s10  }
0x35: {  	s10 =	sld [smem:$0x3FB9];
	_ =	sdelay $0x3  }
0x36: {  	p1 =	seq.s32 s10, $0x1;
	s10 =	sld [smem:$0x3FBA];
	_ =	sdelay $0x3  }
0x37: {  	[smem:$0x3FBA] =	sst s10  }
0x38: {  	s10 =	sld [smem:$0x3FBB]  }
0x39: {  	_ = 	snop;
	(pc) =	sbr.ind lr, $3  }
0x3a: {  	_ = 	snop  }
0x3b: {  	_ = 	snop  }
0x3c: {  	p2 =	seq.s32 s10, $0x1;
	s10 =	sld [smem:$0x3FBA]  }
0x3d: {  	_ =	shalt  }
0x3e: {  	_ =	shalt  }
0x3f: {  	_ =	shalt  }
0x40: {  	_ =	shalt  }
0x41: {  	_ =	shalt  }
0x42: {  	_ =	shalt  }
0x43: {  	_ =	shalt  }
0x44: {  	_ =	shalt  }
0x45: {  	_ =	shalt  }
0x46: {  	_ =	shalt  }
0x47: {  	_ =	shalt  }
0x48: {  	_ =	shalt  }
0x49: {  	_ =	shalt  }
0x4a: {  	_ =	shalt  }
0x4b: {  	_ =	shalt  }
0x4c: {  	_ =	shalt  }
0x4d: {  	_ =	shalt  }
0x4e: {  	_ =	shalt  }
0x4f: {  	_ =	shalt  }
0x50: {  	_ =	shalt  }
0x51: {  	_ =	shalt  }
0x52: {  	_ =	shalt  }
0x53: {  	_ =	shalt  }
0x54: {  	_ =	shalt  }
0x55: {  	_ =	shalt  }
0x56: {  	_ =	shalt  }
0x57: {  	_ =	shalt  }
0x58: {  	_ =	shalt  }
0x59: {  	_ =	shalt  }
0x5a: {  	_ =	shalt  }
0x5b: {  	_ =	shalt  }
0x5c: {  	_ =	shalt  }
0x5d: {  	_ =	shalt  }
0x5e: {  	_ =	shalt  }
0x5f: {  	_ =	shalt  }
0x60: {  	_ =	shalt  }
0x61: {  	_ =	shalt  }
0x62: {  	_ =	shalt  }
0x63: {  	_ =	shalt  }
0x64: {  	_ =	shalt  }
0x65: {  	_ =	shalt  }
0x66: {  	_ =	shalt  }
0x67: {  	_ =	shalt  }
0x68: {  	_ =	shalt  }
0x69: {  	_ =	shalt  }
0x6a: {  	_ =	shalt  }
0x6b: {  	_ =	shalt  }
0x6c: {  	_ =	shalt  }
0x6d: {  	_ =	shalt  }
0x6e: {  	_ =	shalt  }
0x6f: {  	_ =	shalt  }
0x70: {  	_ =	shalt  }
0x71: {  	_ =	shalt  }
0x72: {  	_ =	shalt  }
0x73: {  	_ =	shalt  }
0x74: {  	_ =	shalt  }
0x75: {  	_ =	shalt  }
0x76: {  	_ =	shalt  }
0x77: {  	_ =	shalt  }
0x78: {  	_ =	shalt  }
0x79: {  	_ =	shalt  }
0x7a: {  	_ =	shalt  }
0x7b: {  	_ =	shalt  }
0x7c: {  	_ =	shalt  }
0x7d: {  	_ =	shalt  }
0x7e: {  	_ =	shalt  }
0x7f: {  	_ =	shalt  }
0x80: {  	_ =	shalt  }
0x81: {  	_ =	shalt  }
0x82: {  	_ =	shalt  }
0x83: {  	_ =	shalt  }
0x84: {  	_ =	shalt  }
0x85: {  	_ =	shalt  }
0x86: {  	_ =	shalt  }
0x87: {  	_ =	shalt  }
.Lfunc_end0:
.L_simem_size_0:
called_computation_lowered:
.L_overlay_start_0:
0x88: {  	s2 =	sld [smem:$0x3FD9]  }
0x89: {  	s3 =	sld [smem:$0x3FFE];
	_ =	sdelay $0x1  }
0x8a: {  	s1 =	srdreg.scid  }
0x8b: {  	s0 =	sand.u32 $0x1, s1  }
0x8c: {  	s17 =	sshll.u32 s0, $0xA;
	s2 =	sadd.s32 s3, s2  }
0x8d: {  	s2 =	sadd.s32 s2, s17  }
0x8e: {  	[smem:$0x3FC6] =	sst s2  }
0x8f: {  	_ = 	snop  }
0x90: {  	s2 =	sld [smem:$0x3FC8]  }
0x91: {  	s18 =	sld [smem:$0x3FD0];
	(tm) =	ssettm $0x1  }
0x92: {  	s4 =	sld [smem:$0x3FFB];
	_ =	sdelay $0x3  }
0x93: {  	_ =	strace s4  }
0x94: {  	s4 =	sld [smem:$0x3FFC];
	_ =	sdelay $0x3  }
0x95: {  	_ =	strace s4  }
0x96: {  	s4 =	sld [smem:$0x3FFD];
	_ =	sdelay $0x3  }
0x97: {  	_ =	strace s4  }
0x98: {  	_ =	strace $0x8FFFFFFF  }
0x99: {  	s19 =	sld [smem:$0x3FDB];
	_ =	sdelay $0x1  }
0x9a: {  	s5 =	simm.s32 $_scs_section_size  }
0x9b: {  	s6 =	simm.s32 $_size__tile_overlayer_lowered;
	s7 =	simm.s32 $_tile_overlayer_lowered  }
0x9c: {  	s22 =	simm.s32 $0x1BFF;
	s21 =	sshll.u32 s7, $0x1;
	s4 =	sadd.s32 s5, s19  }
0x9d: {  	s8 =	simm.s32 $0x0;
	s20 =	sshll.u32 s6, $0x1;
	s6 =	sadd.s32 s21, s4  }
0x9e: {  	[timem:s8], [sflag:s22] =	dma.local [hbm:s6], s20  }
0x9f: {  	_ =	swait.ge [sflag:s22], s20  }
0xa0: {  	s5 =	ssub.s32 $0x0, s20;
	[sflag:s22] =	ssyncset.done $0x0  }
0xa1: {  	[sflag:s22] =	ssyncadd.s32 s5;
	_ =	sdelay $0x1  }
0xa2: {  	s23 =	simm.s32 $0x1B8B  }
0xa3: {  	_ =	swait.ge [sflag:s23], $0x1  }
0xa4: {  	[sflag:s23] =	ssyncset.done $0x0  }
0xa5: {  	s25 =	simm.s32 $0x1B8E;
	s24 =	sld [smem:$0x3FFE];
	[sflag:s23] =	ssyncadd.s32 $0xFFFFFFFF  }
0xa6: {  	s26 =	simm.s32 $execute0_lowered;
	[smem:$0x3FD2] =	sst s25  }
0xa7: {  	s6 =	sshll.u32 s26, $0x1;
	_ =	strace $0x80000046;
	[dreg:$0x1] =	wrdreg $0xFFFFFFFF  }
0xa8: {  	s28 =	simm.s32 $_size_execute0_lowered;
	s4 =	sadd.s32 s4, s6;
	[dreg:$0x0] =	wrdreg $0x0  }
0xa9: {  	s6 =	sshll.u32 s28, $0x1;
	[dreg:$0x2] =	wrdreg s4  }
0xaa: {  	[dreg:$0x3] =	wrdreg s6  }
0xab: {  	[dreg:$0x4] =	wrdreg $0xC0  }
0xac: {  	_ =	task [dreg:s8], $0x5FFFF  }
0xad: {  	[dreg:$0x1] =	wrdreg $0xFFFFFFFF  }
0xae: {  	[dreg:$0x0] =	wrdreg $0x60  }
0xaf: {  	[dreg:$0x2] =	wrdreg s24  }
0xb0: {  	[dreg:$0x3] =	wrdreg s2  }
0xb1: {  	[dreg:$0x4] =	wrdreg s18  }
0xb2: {  	[dreg:$0x5] =	wrdreg $0x9  }
0xb3: {  	_ =	task.clear_ibuf [dreg:s8], $0x6FFFF;
	_ =	strace $0x90000046  }
0xb4: {  	s29 =	simm.s32 $0x9;
	_ =	strace $0x80000048  }
0xb5: {  	_ =	swait.ge [sflag:s29], $0x1  }
0xb6: {  	[sflag:s29] =	ssyncadd.s32 $0xFFFFFFFF  }
0xb7: {  	_ =	strace $0x90000048  }
0xb8: {  	_ =	sfence  }
0xb9: {  	s30 =	sld [smem:$0x0];
	_ =	sdelay $0x2  }
0xba: {  	s31 =	sshll.u32 s1, $0xD;
	s1 =	sshrl.u32 s1, $0x2  }
0xbb: {  	s3 =	sand.u32 $0x4000, s31;
	s1 =	sadd.s32 s1, s30  }
0xbc: {  	s0 =	sor.u32 s3, s0;
	s1 =	sshll.u32 s1, $0x11  }
0xbd: {  	s0 =	sor.u32 s1, s0  }
0xbe: {  	s0 =	sadd.s32 $0x8F2B, s0  }
0xbf: {  	[sflag:s0] =	ssyncadd.remote.s32 $0x1  }
0xc0: {  	_ =	sfence.sel $0xFFFF  }
0xc1: {  	[dreg:$0x0] =	wrdreg $0xFFFFFFFF;
	(pc) =	sbr.abs _section_cstart, $3  }
0xc2: {  	[dreg:$0x1] =	wrdreg $0xFFFFFFFF  }
0xc3: {  	_ =	task.clear_ibuf [dreg:s8], $0x2FFFF;
	_ =	strace $0x9FFFFFFF  }
0xc4: {  	(tm) =	ssettm $0x7FFFFFFF  }
0xc5: {  	_ =	shalt  }
tec
execute0_lowered:
.L_overlay_start_1:
0x0: {  	(tag) =	ssettag $0x1  }
0x1: {  	s4 =	rddreg [dreg:$0x0]  }
0x2: {  	s0 =	srdreg.scid;
	s2 =	rddreg [dreg:$0x1]  }
0x3: {  	s8 =	rddreg [dreg:$0x2];
	s1 =	stileid.u32  }
0x4: {  	s3 =	simm.s32 $0x0;
	s13 =	simm.s32 $0x6400;
	s14 =	simm.s32 $0x1  }
0x5: {  	s15 =	simm.s32 $0x10400;
	s16 =	simm.s32 $0x2;
	s17 =	simm.s32 $0x3  }
0x6: {  	s18 =	simm.s32 $0x280;
	s19 =	simm.s32 $0x4;
	s20 =	simm.s32 $0x62C0  }
0x7: {  	s21 =	simm.s32 $0x0;
	s5 =	sand.u32 $0x1, s0;
	s0 =	rddreg [dreg:$0x3]  }
0x8: {  	[smem:$0x7FF] =	sst s3;
	s12 =	smul.u32 $0x64000, s1;
	s6 =	sshll.u32 s5, $0x4  }
0x9: {  	s9 =	ssub.s32 $0x2, s5;
	s31 =	smul.u32 $0x640000, s5;
	s6 =	sor.u32 s1, s6  }
0xa: {  	_ =	strace $0x80000047;
	s10 =	sshrl.u32 s9, $0x1;
	s7 =	smul.u32 $0x6400, s6  }
0xb: {  	s11 =	smul.u32 $0x320000, s6;
	s9 =	ssub.s32 s9, s10;
	s10 =	sadd.s32 s31, s8  }
0xc: {  	s6 =	smul.u32 $0x64000, s6;
	s9 =	smax.u32 s9, $0x1;
	s10 =	sadd.s32 s12, s10  }
0xd: {  	s12 =	simm.s32 $0x140;
	s7 =	sshrl.u32 s7, $0x3;
	s30 =	sshrl.u32 s11, $0x3  }
0xe: {  	s5 =	sadd.s32 s8, s6;
	s10 =	sadd.s32 $0x3C00, s10;
	s4 =	sadd.s32 s7, s4  }
0xf: {  	s11 =	sadd.s32 s8, s30;
	s6 =	sadd.s32 $0x1400, s5;
	s4 =	sadd.s32 $0x400, s4  }
0x10: {  	s7 =	sadd.s32 $0x61800, s11;
	s8 =	sadd.s32 $0x62C00, s11;
	s11 =	simm.s32 $0x5  }
.LBB2_1:
0x11: {  	[tilespmem:s3], [sflag:$0x5] =	stream.linear.gather [hbm4b:s4+s3], $0x6400, $0x38;
	[tilespmem:$0x1A400] =	vst v63  }
0x12: {  	_ =	swait.ge [sflag:s11], $0x6400  }
0x13: {  	[sflag:s11] =	ssyncset.done $0x0  }
0x14: {  	[sflag:s11] =	ssyncadd.s32 $0xFFFF9C00  }
0x15: {  	[tilespmem:s13], [sflag:$0x1] =	stream.indirect.gather [hbm4b:s2+s12], $0x80, s3, s12, $0xb8;
	[tilespmem:$0x1A400] =	vst v63  }
0x16: {  	_ =	swait.ge [sflag:s14], $0xA000  }
0x17: {  	[sflag:s14] =	ssyncset.done $0x0  }
0x18: {  	[sflag:s14] =	ssyncadd.s32 $0xFFFF6000  }
0x19: {  	[hbm4b:s5+s3] =	stream.linear.scatter [tilespmem:s13], [sflag:$0x3], $0xA000, $0x38;
	[tilespmem:$0x1A400] =	vst v63  }
0x1a: {  	_ = 	snop  }
0x1b: {  	[tilespmem:s15], [sflag:$0x2] =	stream.indirect.gather [hbm4b:s2+s12], $0x80, s12, s12, $0xb8;
	[tilespmem:$0x1A400] =	vst v63  }
0x1c: {  	_ =	swait.ge [sflag:s16], $0xA000  }
0x1d: {  	[sflag:s16] =	ssyncset.done $0x0  }
0x1e: {  	[sflag:s16] =	ssyncadd.s32 $0xFFFF6000  }
0x1f: {  	[hbm4b:s6+s3] =	stream.linear.scatter [tilespmem:s15], [sflag:$0x4], $0xA000, $0x38;
	[tilespmem:$0x1A400] =	vst v63  }
0x20: {  	_ =	swait.ge [sflag:s17], $0xA000  }
0x21: {  	[sflag:s17] =	ssyncset.done $0x0  }
0x22: {  	[sflag:s17] =	ssyncadd.s32 $0xFFFF6000  }
0x23: {  	[tilespmem:s13], [sflag:$0x1] =	stream.indirect.gather [hbm4b:s2+s12], $0x80, s18, s12, $0xb8;
	[tilespmem:$0x1A400] =	vst v63  }
0x24: {  	_ =	swait.ge [sflag:s14], $0xA000  }
0x25: {  	[sflag:s14] =	ssyncset.done $0x0  }
0x26: {  	s22 =	sadd.s32 $0xFFFFEC00, s10;
	[sflag:s14] =	ssyncadd.s32 $0xFFFF6000  }
0x27: {  	[hbm4b:s22+s3] =	stream.linear.scatter [tilespmem:s13], [sflag:$0x3], $0xA000, $0x38;
	[tilespmem:$0x1A400] =	vst v63  }
0x28: {  	_ =	swait.ge [sflag:s19], $0xA000  }
0x29: {  	[sflag:s19] =	ssyncset.done $0x0  }
0x2a: {  	s31 =	simm.s32 $0x3C0;
	[sflag:s19] =	ssyncadd.s32 $0xFFFF6000  }
0x2b: {  	[tilespmem:s15], [sflag:$0x2] =	stream.indirect.gather [hbm4b:s2+s12], $0x80, s31, s12, $0xb8;
	[tilespmem:$0x1A400] =	vst v63  }
0x2c: {  	_ =	swait.ge [sflag:s16], $0xA000  }
0x2d: {  	[sflag:s16] =	ssyncset.done $0x0  }
0x2e: {  	[sflag:s16] =	ssyncadd.s32 $0xFFFF6000  }
0x2f: {  	[hbm4b:s10+s3] =	stream.linear.scatter [tilespmem:s15], [sflag:$0x4], $0xA000, $0x38;
	[tilespmem:$0x1A400] =	vst v63  }
0x30: {  	_ =	swait.ge [sflag:s17], $0xA000  }
0x31: {  	s24 =	simm.s32 $0x500;
	[sflag:s17] =	ssyncset.done $0x0  }
0x32: {  	s23 =	sadd.s32 $0x2800, s10;
	s22 =	simm.s32 $0xA00;
	[sflag:s17] =	ssyncadd.s32 $0xFFFF6000  }
.LBB2_2:
0x33: {  	[tilespmem:s13], [sflag:$0x1] =	stream.indirect.gather [hbm4b:s2+s12], $0x80, s24, s12, $0xb8;
	[tilespmem:$0x1A400] =	vst v63  }
0x34: {  	s24 =	smov.u32 s22  }
0x35: {  	p0 =	sne.s32 s22, $0x17200;
	s22 =	sadd.s32 $0xA00, s22;
	_ =	swait.ge [sflag:s14], $0xA000  }
0x36: {  	[sflag:s14] =	ssyncset.done $0x0  }
0x37: {  	s25 =	sadd.s32 $0xFFFFEC00, s23;
	[sflag:s14] =	ssyncadd.s32 $0xFFFF6000  }
0x38: {  	[hbm4b:s25+s3] =	stream.linear.scatter [tilespmem:s13], [sflag:$0x3], $0xA000, $0x38;
	[tilespmem:$0x1A400] =	vst v63  }
0x39: {  	_ =	swait.ge [sflag:s19], $0xA000  }
0x3a: {  	s24 =	sshra.s32 s24, $0x2;
	[sflag:s19] =	ssyncset.done $0x0  }
0x3b: {  	s25 =	sadd.s32 $0x3C0, s24;
	[sflag:s19] =	ssyncadd.s32 $0xFFFF6000  }
0x3c: {  	[tilespmem:s15], [sflag:$0x2] =	stream.indirect.gather [hbm4b:s2+s12], $0x80, s25, s12, $0xb8;
	[tilespmem:$0x1A400] =	vst v63  }
0x3d: {  	_ =	swait.ge [sflag:s16], $0xA000  }
0x3e: {  	[sflag:s16] =	ssyncset.done $0x0  }
.Ltmp0:
0x3f: {  	[sflag:s16] =	ssyncadd.s32 $0xFFFF6000;
	(pc) =	sbr.rel @p0 .LBB2_2-.Ltmp0, $4  }
0x40: {  	[hbm4b:s23+s3] =	stream.linear.scatter [tilespmem:s15], [sflag:$0x4], $0xA000, $0x38;
	[tilespmem:$0x1A400] =	vst v63  }
0x41: {  	_ =	swait.ge [sflag:s17], $0xA000  }
0x42: {  	[sflag:s17] =	ssyncset.done $0x0  }
0x43: {  	s24 =	sadd.s32 $0x500, s24;
	s23 =	sadd.s32 $0x2800, s23;
	[sflag:s17] =	ssyncadd.s32 $0xFFFF6000  }
0x44: {  	[tilespmem:s13], [sflag:$0x1] =	stream.indirect.gather [hbm4b:s2+s12], $0x80, s24, s12, $0xb8;
	[tilespmem:$0x1A400] =	vst v63  }
0x45: {  	_ =	swait.ge [sflag:s14], $0xA000  }
0x46: {  	[sflag:s14] =	ssyncset.done $0x0  }
0x47: {  	[sflag:s14] =	ssyncadd.s32 $0xFFFF6000  }
0x48: {  	[hbm4b:s7+s3] =	stream.linear.scatter [tilespmem:s13], [sflag:$0x3], $0xA000, $0x38;
	[tilespmem:$0x1A400] =	vst v63  }
0x49: {  	_ =	swait.ge [sflag:s19], $0xA000  }
0x4a: {  	[sflag:s19] =	ssyncset.done $0x0  }
0x4b: {  	[sflag:s19] =	ssyncadd.s32 $0xFFFF6000  }
0x4c: {  	[tilespmem:s15], [sflag:$0x2] =	stream.indirect.gather [hbm4b:s2+s12], $0x80, s20, s12, $0xb8;
	[tilespmem:$0x1A400] =	vst v63  }
0x4d: {  	_ =	swait.ge [sflag:s16], $0xA000  }
0x4e: {  	[sflag:s16] =	ssyncset.done $0x0  }
0x4f: {  	s21 =	sadd.s32 $0x1, s21;
	[sflag:s16] =	ssyncadd.s32 $0xFFFF6000  }
0x50: {  	[hbm4b:s8+s3] =	stream.linear.scatter [tilespmem:s15], [sflag:$0x4], $0xA000, $0x38;
	[tilespmem:$0x1A400] =	vst v63  }
0x51: {  	p0 =	sne.s32 s21, s9;
	_ =	swait.ge [sflag:s17], $0xA000  }
.Ltmp1:
0x52: {  	[sflag:s17] =	ssyncset.done $0x0;
	(pc) =	sbr.rel @p0 .LBB2_1-.Ltmp1, $4  }
0x53: {  	[sflag:s17] =	ssyncadd.s32 $0xFFFF6000  }
0x54: {  	_ =	swait.ge [sflag:s19], $0xA000  }
0x55: {  	[sflag:s19] =	ssyncset.done $0x0  }
0x56: {  	[sflag:s19] =	ssyncadd.s32 $0xFFFF6000  }
0x57: {  	_ =	sfence.sel $0x180000  }
0x58: {  	[bflag:$0x0] =	sbarrier.arrive $0xFFFF  }
0x59: {  	p0 =	sne.s32 s1, $0x0;
	_ =	strace $0x90000047  }
0x5a: {  	s0 =	sadd.s32 @!p0 $0x100000, s0;
	[bflag:$0x2] =	sbarrier.arrive $0xFFFF  }
0x5b: {  	[sflag:s0] =	ssyncadd.tile.s32 @!p0 $0x1;
	_ =	shalt  }
.Lfunc_end2:
_tile_overlayer_lowered:
.L_overlay_start_2:
0x5c: {  	(tag) =	ssettag $0x2  }
0x5d: {  	s0 =	rddreg [dreg:$0x0];
	s2 =	stileid.u32  }
0x5e: {  	s1 =	rddreg [dreg:$0x1];
	p0 =	sne.s32 s2, $0x0  }
0x5f: {  	s3 =	rddreg [dreg:$0x2];
	[bflag:$0x3] =	sbarrier.arrive $0xFFFF;
	s2 =	simm.s32 @!p0 $0x1C05  }
0x60: {  	[timem:s3], [sflag:s2] =	dma.local @!p0 [hbm:s0], s1  }
0x61: {  	s0 =	simm.s32 @!p0 $0x5  }
0x62: {  	_ =	swait.ge @!p0 [sflag:s0], s1  }
0x63: {  	s1 =	ssub.s32 @!p0 $0x0, s1;
	[sflag:s0] =	ssyncset.done @!p0 $0x0  }
0x64: {  	[sflag:s0] =	ssyncadd.s32 @!p0 s1  }
0x65: {  	[bflag:$0x3] =	sbarrier.arrive $0xFFFF  }
0x66: {  	_ =	shalt  }

</sc_bundles>
